<compile_context>
chip_gen: v7x
topology: tpu7x:2x2x1
jax: 0.10.2.dev20260603
libtpu: 0.0.44.dev20260713+nightly
codegen_flags: <defaults>
</compile_context>

<pallas_src>
import functools

import jax
import jax.numpy as jnp
import numpy as np
from jax import lax
from jax.experimental import pallas as pl
from jax.experimental.pallas import tpu as pltpu
from jax.experimental.pallas import tpu_sc as plsc

_VOCAB = 29
_VPAD = 32
_D = 1024
_SEQ = 2000
_BATCH = 4
_ROWS = _BATCH * _SEQ
_NC = 2
_NS = 16
_NW = _NC * _NS
_LPW = 64
_LCH = 8
_NCHUNK = _LPW // _LCH
_NV = _D // 16
_COMPUTE = True
_RUN_LOOP = False
_STARTUP = False


def _pos_encoding() -> np.ndarray:
    pos = np.arange(_SEQ, dtype=np.float32).reshape(-1, 1)
    div = np.power(10000.0, np.arange(0, _D, 2, dtype=np.float32) / _D)
    x = pos / div
    p = np.zeros((_SEQ, _D), dtype=np.float32)
    p[:, 0::2] = np.sin(x)
    p[:, 1::2] = np.cos(x)
    return p


_P_CONST = _pos_encoding()


def _tc_stats(batch_ref, table_ref, p_ref, gamma_ref,
              a_ref, t2_ref, p2_ref):
    tab = table_ref[:]
    pos = p_ref[:]
    g = gamma_ref[:]
    inv_d = jnp.float32(1.0 / _D)
    st = jnp.sum(tab, axis=1)
    qt = jnp.sum(tab * tab, axis=1)
    sp = jnp.sum(pos, axis=1)
    qp = jnp.sum(pos * pos, axis=1)
    ct = lax.dot_general(pos, tab, (((1,), (1,)), ((), ())),
                         precision=lax.Precision.HIGHEST,
                         preferred_element_type=jnp.float32)
    tok = batch_ref[:]
    oh = (tok[:, :, None]
          == lax.broadcasted_iota(jnp.int32, (1, 1, _VPAD), 2)
          ).astype(jnp.float32)
    st_sel = jnp.sum(oh * st[None, None, :], axis=-1)
    qt_sel = jnp.sum(oh * qt[None, None, :], axis=-1)
    c_sel = jnp.sum(oh * ct[None, :, :], axis=-1)
    mean = (st_sel + sp[None, :]) * inv_d
    e2 = (qt_sel + 2.0 * c_sel + qp[None, :]) * inv_d
    var = e2 - mean * mean
    a_ref[:] = lax.rsqrt(var + 1e-12)
    t2_ref[:] = g * (tab - st[:, None] * inv_d)
    p2_ref[:] = g * (pos - sp[:, None] * inv_d)


def _sc_body(idx_hbm, a_hbm, t2_hbm, p2_hbm, beta_hbm, out_hbm,
             t2f_v, beta_v, p2_v, idx_v, a_v, out_v,
             sem_in0, sem_in1, sem_out0, sem_out1):
    w = lax.axis_index("s") * _NC + lax.axis_index("c")
    l_base = jnp.minimum(_LPW * w, _SEQ - _LPW)
    if not _STARTUP:
        return
    pltpu.sync_copy(t2_hbm, t2f_v)
    pltpu.sync_copy(beta_hbm, beta_v)
    pltpu.sync_copy(idx_hbm.at[pl.ds(l_base, _LPW)], idx_v)
    pltpu.sync_copy(a_hbm.at[pl.ds(l_base, _LPW)], a_v)
    sems_in = (sem_in0, sem_in1)
    sems_out = (sem_out0, sem_out1)
    iota = lax.broadcasted_iota(jnp.int32, (16,), 0)

    def l_of(c):
        return jnp.minimum(l_base + c * _LCH, _SEQ - _LCH)

    def in_copies(c, par):
        l0 = l_of(c)
        return (
            pltpu.make_async_copy(p2_hbm.at[pl.ds(l0, _LCH), :],
                                  p2_v.at[par], sems_in[par]),
        )

    def out_copies(c, par):
        l0 = l_of(c)
        return (
            pltpu.make_async_copy(out_v.at[par],
                                  out_hbm.at[:, pl.ds(l0, _LCH), :],
                                  sems_out[par]),
        )

    def issue(copies):
        for d in copies:
            d.start()

    def wait(copies):
        for d in copies:
            d.wait()

    def compute(par, c):
        for lp in range(_LCH):
            cl = c * _LCH + lp
            toks = [idx_v[cl, b, :] for b in range(_BATCH)]
            asp = [a_v[cl, b, :] for b in range(_BATCH)]
            bases = [toks[b] * _D + iota for b in range(_BATCH)]

            @plsc.parallel_loop(0, _NV, 1, unroll=4)
            def jbody(i, _par=par, _lp=lp, _bases=bases, _asp=asp):
                joff = i * 16
                bq = beta_v[pl.ds(joff, 16)]
                pq = p2_v[_par, _lp, pl.ds(joff, 16)]
                for b in range(_BATCH):
                    t2 = plsc.load_gather(t2f_v, [_bases[b] + joff])
                    o = (t2 + pq) * _asp[b] + bq
                    out_v[_par, b, _lp, pl.ds(joff, 16)] = o

    if not _RUN_LOOP:
        return
    issue(in_copies(0, 0))

    def pair_body(i, carry):
        for u in range(2):
            c = 2 * i + u
            issue(in_copies(c + 1, 1 - u))
            wait(in_copies(c, u))
            pl.when(i > 0)(lambda _u=u, _c=c: wait(out_copies(_c - 2, _u)))
            if _COMPUTE:
                compute(u, c)
            issue(out_copies(c, u))
        return carry

    lax.fori_loop(0, _NCHUNK // 2, pair_body, 0)

    wait(out_copies(_NCHUNK - 2, 0))
    wait(out_copies(_NCHUNK - 1, 1))
    wait(in_copies(_NCHUNK, 0))


@jax.jit
def kernel(batch, table, gamma, beta):
    batch = batch.astype(jnp.int32)
    table = table.astype(jnp.float32)
    gamma = gamma.astype(jnp.float32)
    beta = beta.astype(jnp.float32)
    p = jnp.asarray(_P_CONST)
    tab_pad = jnp.pad(table, ((0, _VPAD - _VOCAB), (0, 0)))

    a, t2, p2 = pl.pallas_call(
        _tc_stats,
        out_shape=[
            jax.ShapeDtypeStruct((_BATCH, _SEQ), jnp.float32),
            jax.ShapeDtypeStruct((_VPAD, _D), jnp.float32),
            jax.ShapeDtypeStruct((_SEQ, _D), jnp.float32),
        ],
    )(batch, tab_pad, p, gamma.reshape(1, _D))

    idx_t = jnp.broadcast_to(batch.T.reshape(_SEQ, _BATCH, 1),
                             (_SEQ, _BATCH, 16))
    a_t = jnp.broadcast_to(a.T.reshape(_SEQ, _BATCH, 1),
                           (_SEQ, _BATCH, 16))
    t2f = t2.reshape(_VPAD * _D)

    mesh = plsc.VectorSubcoreMesh(core_axis_name="c", subcore_axis_name="s",
                                  num_cores=_NC, num_subcores=_NS)
    run = pl.kernel(
        _sc_body,
        out_type=jax.ShapeDtypeStruct((_BATCH, _SEQ, _D), jnp.float32),
        mesh=mesh,
        scratch_types=[
            pltpu.VMEM((_VPAD * _D,), jnp.float32),
            pltpu.VMEM((_D,), jnp.float32),
            pltpu.VMEM((2, _LCH, _D), jnp.float32),
            pltpu.VMEM((_LPW, _BATCH, 16), jnp.int32),
            pltpu.VMEM((_LPW, _BATCH, 16), jnp.float32),
            pltpu.VMEM((2, _BATCH, _LCH, _D), jnp.float32),
            pltpu.SemaphoreType.DMA,
            pltpu.SemaphoreType.DMA,
            pltpu.SemaphoreType.DMA,
            pltpu.SemaphoreType.DMA,
        ],
        compiler_params=pltpu.CompilerParams(use_tc_tiling_on_sc=False,
                                             needs_layout_passes=False),
    )
    return run(idx_t, a_t, t2f, p2, beta)

# --- scband reference (transcript-rebuilt; emitter-appended) ---
"""Pipeline reference for scband-embeddings-58918361366768 (READ-ONLY COPY).

The authoritative reference and input builder live on the scoring server;
editing this copy changes nothing except your own understanding.
"""

import jax, jax.numpy as jnp
import numpy as np

VOCAB = 29  # '<pad>' + 26 accepted chars + '<SOS>' + '<EOS>'
D_MODEL = 1024
MAX_LEN = 2000
BATCH = 4
SEQ = 2000


def make_pos_encoding(max_len, d):
    pos = np.arange(max_len, dtype=np.float32).reshape(-1, 1)
    div = np.power(10000.0, np.arange(0, d, 2, dtype=np.float32) / d)
    X = pos / div
    P = np.zeros((max_len, d), dtype=np.float32)
    P[:, 0::2] = np.sin(X)
    P[:, 1::2] = np.cos(X)
    return jnp.asarray(P)


def setup_inputs(seed: int = 0) -> dict:
    key = jax.random.key(seed)
    k1, k2 = jax.random.split(key, 2)
    batch = jax.random.randint(k1, (BATCH, SEQ), 0, VOCAB, dtype=jnp.int64 if jax.config.jax_enable_x64 else jnp.int32)
    table = jax.random.normal(k2, (VOCAB, D_MODEL), dtype=jnp.float32)
    table = table.at[1].set(0.0)  # padding_idx=1 row initialized to zero
    gamma = jnp.ones((D_MODEL,), dtype=jnp.float32)
    beta = jnp.zeros((D_MODEL,), dtype=jnp.float32)
    return {"batch": batch, "table": table, "gamma": gamma, "beta": beta}


def reference(batch, table, gamma, beta):
    # word embedding lookup (SparseCore gather)
    emb = jnp.take(table, batch, axis=0)  # [B, L, D]
    # positional encoding (with_positional=True); dropout=0 -> identity
    P = make_pos_encoding(MAX_LEN, D_MODEL)
    emb = emb + P[: emb.shape[1]][None, :, :]
    # LayerNorm, eps=1e-12
    mean = jnp.mean(emb, axis=-1, keepdims=True)
    var = jnp.mean((emb - mean) ** 2, axis=-1, keepdims=True)
    xhat = (emb - mean) / jnp.sqrt(var + 1e-12)
    return xhat * gamma + beta

if __name__ == "__main__":
    import jax
    _d = setup_inputs()
    print(jax.jit(kernel)(*tuple(_d.values())))

</pallas_src>

<mosaic_0001>
#map = affine_map<(d0, d1) -> (0, 0, 0)>
#map1 = affine_map<(d0, d1) -> (0)>
#map2 = affine_map<(d0, d1) -> (0, 0)>
module attributes {stable_mosaic.version = 14 : i64} {
  func.func @_sc_body(%arg0: i32, %arg1: i32, %arg2: memref<2000x4x16xi32, #tpu.memory_space<hbm>>, %arg3: memref<2000x4x16xf32, #tpu.memory_space<hbm>>, %arg4: memref<32768xf32, #tpu.memory_space<hbm>>, %arg5: memref<2000x1024xf32, #tpu.memory_space<hbm>>, %arg6: memref<1024xf32, #tpu.memory_space<hbm>>, %arg7: memref<4x2000x1024xf32, #tpu.memory_space<hbm>>, %arg8: memref<32768xf32, #tpu.memory_space<vmem>>, %arg9: memref<1024xf32, #tpu.memory_space<vmem>>, %arg10: memref<2x8x1024xf32, #tpu.memory_space<vmem>>, %arg11: memref<64x4x16xi32, #tpu.memory_space<vmem>>, %arg12: memref<64x4x16xf32, #tpu.memory_space<vmem>>, %arg13: memref<2x4x8x1024xf32, #tpu.memory_space<vmem>>, %arg14: memref<!tpu.dma_semaphore, #tpu.memory_space<semaphore_mem>>, %arg15: memref<!tpu.dma_semaphore, #tpu.memory_space<semaphore_mem>>, %arg16: memref<!tpu.dma_semaphore, #tpu.memory_space<semaphore_mem>>, %arg17: memref<!tpu.dma_semaphore, #tpu.memory_space<semaphore_mem>>) attributes {dimension_semantics = [#tpu.dimension_semantics<core_parallel>, #tpu.dimension_semantics<subcore_parallel>], iteration_bounds = array<i64: 2, 16>, scalar_prefetch = 0 : i64, scratch_operands = 10 : i64, tpu.core_type = #tpu.core_type<sc_vector_subcore>, window_params = [{transform_indices = #map}, {transform_indices = #map}, {transform_indices = #map1}, {transform_indices = #map2}, {transform_indices = #map1}, {transform_indices = #map}]} {
    %mul3A = arith.constant 2 : i32
    %mul3A_0 = arith.muli %arg1, %mul3A : i32
    %add3A = arith.addi %mul3A_0, %arg0 : i32
    %mul3A_1 = arith.constant 64 : i32
    %mul3A_2 = arith.muli %mul3A_1, %add3A : i32
    %min3A = arith.constant 1936 : i32
    %min3A_3 = arith.minsi %mul3A_2, %min3A : i32
    return
  }
}

module attributes {stable_mosaic.version = 14 : i64} {
  func.func @_tc_stats(%arg0: memref<4x2000xi32, #tpu.memory_space<vmem>>, %arg1: memref<32x1024xf32, #tpu.memory_space<vmem>>, %arg2: memref<2000x1024xf32, #tpu.memory_space<vmem>>, %arg3: memref<1x1024xf32, #tpu.memory_space<vmem>>, %arg4: memref<4x2000xf32, #tpu.memory_space<vmem>>, %arg5: memref<32x1024xf32, #tpu.memory_space<vmem>>, %arg6: memref<2000x1024xf32, #tpu.memory_space<vmem>>) attributes {dimension_semantics = [], scalar_prefetch = 0 : i64, scratch_operands = 0 : i64, tpu.core_type = #tpu.core_type<tc>} {
    %get3A = arith.constant 0 : index
    %get3A_0 = arith.constant 0 : index
    %get3A_1 = vector.load %arg1[%get3A, %get3A_0] : memref<32x1024xf32, #tpu.memory_space<vmem>>, vector<32x1024xf32>
    %get3A_2 = arith.constant 0 : index
    %get3A_3 = arith.constant 0 : index
    %get3A_4 = vector.load %arg2[%get3A_2, %get3A_3] : memref<2000x1024xf32, #tpu.memory_space<vmem>>, vector<2000x1024xf32>
    %get3A_5 = arith.constant 0 : index
    %get3A_6 = arith.constant 0 : index
    %get3A_7 = vector.load %arg3[%get3A_5, %get3A_6] : memref<1x1024xf32, #tpu.memory_space<vmem>>, vector<1x1024xf32>
    %reduce_sum3A = arith.constant dense<0.000000e+00> : vector<32xf32>
    %reduce_sum3A_8 = vector.multi_reduction <add>, %get3A_1, %reduce_sum3A [1] : vector<32x1024xf32> to vector<32xf32>
    %mul3A = arith.mulf %get3A_1, %get3A_1 : vector<32x1024xf32>
    %reduce_sum3A_9 = arith.constant dense<0.000000e+00> : vector<32xf32>
    %reduce_sum3A_10 = vector.multi_reduction <add>, %mul3A, %reduce_sum3A_9 [1] : vector<32x1024xf32> to vector<32xf32>
    %reduce_sum3A_11 = arith.constant dense<0.000000e+00> : vector<2000xf32>
    %reduce_sum3A_12 = vector.multi_reduction <add>, %get3A_4, %reduce_sum3A_11 [1] : vector<2000x1024xf32> to vector<2000xf32>
    %mul3A_13 = arith.mulf %get3A_4, %get3A_4 : vector<2000x1024xf32>
    %reduce_sum3A_14 = arith.constant dense<0.000000e+00> : vector<2000xf32>
    %reduce_sum3A_15 = vector.multi_reduction <add>, %mul3A_13, %reduce_sum3A_14 [1] : vector<2000x1024xf32> to vector<2000xf32>
    %dot_general3A = arith.constant dense<0.000000e+00> : vector<2000x32xf32>
    %dot_general3A_16 = tpu.matmul %get3A_4, %get3A_1, %dot_general3A {dimension_numbers = #tpu.dot_dimension_numbers<[1], [1], [0], [0], [0, 0, 1, 0], [], []>, precision = #tpu.contract_precision<fp32>, transpose_lhs_hint = false} : vector<2000x1024xf32>, vector<32x1024xf32>, vector<2000x32xf32> -> vector<2000x32xf32>
    %get3A_17 = arith.constant 0 : index
    %get3A_18 = arith.constant 0 : index
    %get3A_19 = vector.load %arg0[%get3A_17, %get3A_18] : memref<4x2000xi32, #tpu.memory_space<vmem>>, vector<4x2000xi32>
    %broadcast_in_dim3A = vector.shape_cast %get3A_19 : vector<4x2000xi32> to vector<4x2000x1xi32>
    %iota3A = tpu.iota {dimensions = array<i32: 2>} : vector<1x1x32xi32>
    %eq3A = vector.broadcast %broadcast_in_dim3A : vector<4x2000x1xi32> to vector<4x2000x32xi32>
    %eq3A_20 = vector.broadcast %iota3A : vector<1x1x32xi32> to vector<4x2000x32xi32>
    %eq3A_21 = arith.cmpi eq, %eq3A, %eq3A_20 : vector<4x2000x32xi32>
    %convert_element_type3A = arith.extui %eq3A_21 : vector<4x2000x32xi1> to vector<4x2000x32xi32>
    %convert_element_type3A_22 = arith.sitofp %convert_element_type3A : vector<4x2000x32xi32> to vector<4x2000x32xf32>
    %broadcast_in_dim3A_23 = vector.shape_cast %reduce_sum3A_8 : vector<32xf32> to vector<1x1x32xf32>
    %mul3A_24 = vector.broadcast %broadcast_in_dim3A_23 : vector<1x1x32xf32> to vector<4x2000x32xf32>
    %mul3A_25 = arith.mulf %convert_element_type3A_22, %mul3A_24 : vector<4x2000x32xf32>
    %reduce_sum3A_26 = arith.constant dense<0.000000e+00> : vector<4x2000xf32>
    %reduce_sum3A_27 = vector.multi_reduction <add>, %mul3A_25, %reduce_sum3A_26 [2] : vector<4x2000x32xf32> to vector<4x2000xf32>
    %broadcast_in_dim3A_28 = vector.shape_cast %reduce_sum3A_10 : vector<32xf32> to vector<1x1x32xf32>
    %mul3A_29 = vector.broadcast %broadcast_in_dim3A_28 : vector<1x1x32xf32> to vector<4x2000x32xf32>
    %mul3A_30 = arith.mulf %convert_element_type3A_22, %mul3A_29 : vector<4x2000x32xf32>
    %reduce_sum3A_31 = arith.constant dense<0.000000e+00> : vector<4x2000xf32>
    %reduce_sum3A_32 = vector.multi_reduction <add>, %mul3A_30, %reduce_sum3A_31 [2] : vector<4x2000x32xf32> to vector<4x2000xf32>
    %broadcast_in_dim3A_33 = vector.shape_cast %dot_general3A_16 : vector<2000x32xf32> to vector<1x2000x32xf32>
    %mul3A_34 = vector.broadcast %broadcast_in_dim3A_33 : vector<1x2000x32xf32> to vector<4x2000x32xf32>
    %mul3A_35 = arith.mulf %convert_element_type3A_22, %mul3A_34 : vector<4x2000x32xf32>
    %reduce_sum3A_36 = arith.constant dense<0.000000e+00> : vector<4x2000xf32>
    %reduce_sum3A_37 = vector.multi_reduction <add>, %mul3A_35, %reduce_sum3A_36 [2] : vector<4x2000x32xf32> to vector<4x2000xf32>
    %broadcast_in_dim3A_38 = vector.shape_cast %reduce_sum3A_12 : vector<2000xf32> to vector<1x2000xf32>
    %add3A = vector.broadcast %broadcast_in_dim3A_38 : vector<1x2000xf32> to vector<4x2000xf32>
    %add3A_39 = arith.addf %reduce_sum3A_27, %add3A : vector<4x2000xf32>
    %mul3A_40 = arith.constant 9.765625E-4 : f32
    %mul3A_41 = vector.broadcast %mul3A_40 : f32 to vector<4x2000xf32>
    %mul3A_42 = arith.mulf %add3A_39, %mul3A_41 : vector<4x2000xf32>
    %mul3A_43 = arith.constant 2.000000e+00 : f32
    %mul3A_44 = vector.broadcast %mul3A_43 : f32 to vector<4x2000xf32>
    %mul3A_45 = arith.mulf %mul3A_44, %reduce_sum3A_37 : vector<4x2000xf32>
    %add3A_46 = arith.addf %reduce_sum3A_32, %mul3A_45 : vector<4x2000xf32>
    %broadcast_in_dim3A_47 = vector.shape_cast %reduce_sum3A_15 : vector<2000xf32> to vector<1x2000xf32>
    %add3A_48 = vector.broadcast %broadcast_in_dim3A_47 : vector<1x2000xf32> to vector<4x2000xf32>
    %add3A_49 = arith.addf %add3A_46, %add3A_48 : vector<4x2000xf32>
    %mul3A_50 = arith.constant 9.765625E-4 : f32
    %mul3A_51 = vector.broadcast %mul3A_50 : f32 to vector<4x2000xf32>
    %mul3A_52 = arith.mulf %add3A_49, %mul3A_51 : vector<4x2000xf32>
    %mul3A_53 = arith.mulf %mul3A_42, %mul3A_42 : vector<4x2000xf32>
    %sub3A = arith.subf %mul3A_52, %mul3A_53 : vector<4x2000xf32>
    %add3A_54 = arith.constant 9.99999996E-13 : f32
    %add3A_55 = vector.broadcast %add3A_54 : f32 to vector<4x2000xf32>
    %add3A_56 = arith.addf %sub3A, %add3A_55 : vector<4x2000xf32>
    %rsqrt3A = math.rsqrt %add3A_56 : vector<4x2000xf32>
    %swap3A = arith.constant 0 : index
    %swap3A_57 = arith.constant 0 : index
    %swap3A_58 = vector.load %arg4[%swap3A, %swap3A_57] : memref<4x2000xf32, #tpu.memory_space<vmem>>, vector<4x2000xf32>
    tpu.vector_store %arg4[%swap3A, %swap3A_57], %rsqrt3A {strides = array<i32>} : memref<4x2000xf32, #tpu.memory_space<vmem>>, vector<4x2000xf32>,
    %broadcast_in_dim3A_59 = vector.shape_cast %reduce_sum3A_8 : vector<32xf32> to vector<32x1xf32>
    %mul3A_60 = arith.constant 9.765625E-4 : f32
    %mul3A_61 = vector.broadcast %mul3A_60 : f32 to vector<32x1xf32>
    %mul3A_62 = arith.mulf %broadcast_in_dim3A_59, %mul3A_61 : vector<32x1xf32>
    %sub3A_63 = vector.broadcast %mul3A_62 : vector<32x1xf32> to vector<32x1024xf32>
    %sub3A_64 = arith.subf %get3A_1, %sub3A_63 : vector<32x1024xf32>
    %mul3A_65 = vector.broadcast %get3A_7 : vector<1x1024xf32> to vector<32x1024xf32>
    %mul3A_66 = arith.mulf %mul3A_65, %sub3A_64 : vector<32x1024xf32>
    %swap3A_67 = arith.constant 0 : index
    %swap3A_68 = arith.constant 0 : index
    %swap3A_69 = vector.load %arg5[%swap3A_67, %swap3A_68] : memref<32x1024xf32, #tpu.memory_space<vmem>>, vector<32x1024xf32>
    tpu.vector_store %arg5[%swap3A_67, %swap3A_68], %mul3A_66 {strides = array<i32>} : memref<32x1024xf32, #tpu.memory_space<vmem>>, vector<32x1024xf32>,
    %broadcast_in_dim3A_70 = vector.shape_cast %reduce_sum3A_12 : vector<2000xf32> to vector<2000x1xf32>
    %mul3A_71 = arith.constant 9.765625E-4 : f32
    %mul3A_72 = vector.broadcast %mul3A_71 : f32 to vector<2000x1xf32>
    %mul3A_73 = arith.mulf %broadcast_in_dim3A_70, %mul3A_72 : vector<2000x1xf32>
    %sub3A_74 = vector.broadcast %mul3A_73 : vector<2000x1xf32> to vector<2000x1024xf32>
    %sub3A_75 = arith.subf %get3A_4, %sub3A_74 : vector<2000x1024xf32>
    %mul3A_76 = vector.broadcast %get3A_7 : vector<1x1024xf32> to vector<2000x1024xf32>
    %mul3A_77 = arith.mulf %mul3A_76, %sub3A_75 : vector<2000x1024xf32>
    %swap3A_78 = arith.constant 0 : index
    %swap3A_79 = arith.constant 0 : index
    %swap3A_80 = vector.load %arg6[%swap3A_78, %swap3A_79] : memref<2000x1024xf32, #tpu.memory_space<vmem>>, vector<2000x1024xf32>
    tpu.vector_store %arg6[%swap3A_78, %swap3A_79], %mul3A_77 {strides = array<i32>} : memref<2000x1024xf32, #tpu.memory_space<vmem>>, vector<2000x1024xf32>,
    return
  }
}

</mosaic_0001>

<sc_bundles>
// kernel: kernel.4.cloned.1.call-start
scs
__scs_entry_jumppad:
0x0: {  	(pc) =	sbr.rel $0x88, $3  }
0x1: {  	(tag) =	ssettag $0x0;
	lr =	simm.s32 $0x1  }
0x2: {  	[smem:$0x3F9D] =	sst lr;
	_ =	strace $0xD0000000  }
0x3: {  	_ = 	snop  }
0x4: {  	_ = 	snop  }
0x5: {  	_ = 	snop  }
0x6: {  	_ = 	snop  }
0x7: {  	_ = 	snop  }
__scs_overlays_trampoline_lowered:
0x8: {  	[smem:$0x3FAC] =	sst s0  }
0x9: {  	[smem:$0x3FAD] =	sst s1  }
0xa: {  	[smem:$0x3FAE] =	sst s2  }
0xb: {  	[smem:$0x3FAF] =	sst s3  }
0xc: {  	[smem:$0x3FB0] =	sst s4  }
0xd: {  	[smem:$0x3FB1] =	sst s5  }
0xe: {  	[smem:$0x3FB2] =	sst s6  }
0xf: {  	[smem:$0x3FB3] =	sst s7  }
0x10: {  	[smem:$0x3FB4] =	sst s8  }
0x11: {  	[smem:$0x3FB5] =	sst s9;
	s0 =	simm.s32 @!p0 $0x0  }
0x12: {  	s1 =	sld [smem:$0x3F9B];
	s0 =	simm.s32 @p0 $0x1  }
0x13: {  	[smem:$0x3FB6] =	sst s0;
	s0 =	simm.s32 @!p1 $0x0  }
0x14: {  	s2 =	sld [smem:$0x3F9A];
	s0 =	simm.s32 @p1 $0x1  }
0x15: {  	[smem:$0x3FB7] =	sst s0;
	s0 =	simm.s32 @!p2 $0x0  }
0x16: {  	s3 =	sld [smem:$0x3FDB];
	s0 =	simm.s32 @p2 $0x1  }
0x17: {  	s4 =	simm.s32 $0x1BF5;
	[smem:$0x3FB9] =	sst s0  }
0x18: {  	s0 =	sld [smem:$0x3F9C];
	_ =	swait.ge [sflag:s4], $0x0  }
0x19: {  	s7 =	sld [smem:$0x3F9D]  }
0x1a: {  	s8 =	sadd.s32 $0xFFFFE003, lr  }
0x1b: {  	s9 =	sadd.s32 $0xFFFFFEF7, lr;
	s5 =	simm.s32 $0xFFFFFFFF;
	p2 =	slt.u32 s8, $0xFFFFF086  }
0x1c: {  	p1 =	slt.u32 s9, $0xF7A;
	s5 =	simm.s32 @!p2 $0x0  }
0x1d: {  	s5 =	simm.s32 @p1 $0x1;
	p0 =	seq.s32 s7, s2  }
0x1e: {  	s7 =	smul.u32 @!p0 $0xF7A, s2;
	p2 =	seq.s32 @!p0 s5, $0x0  }
0x1f: {  	s9 =	smul.u32 $0xF7A, s1;
	s8 =	simm.s32 @!p0 $0x1BF5;
	p2 =	por !p2, p0  }
0x20: {  	[sflag:s8] =	ssyncset.s32 @!p0 $0xFFFFF086;
	s6 =	sadd.s32 @!p0 s3, s7;
	s7 =	simm.s32 @!p0 $0x108  }
0x21: {  	s3 =	sadd.s32 s3, s9;
	s6 =	sadd.s32 @!p0 $0x88, s6;
	s7 =	simm.s32 @p2 $0x1082  }
0x22: {  	[simem:s7], [sflag:s8] =	dma.local @!p0 [hbm:s6], $0xF7A  }
0x23: {  	s9 =	sor.u32 $0xD0000000, s2;
	s6 =	simm.s32 $0x108;
	_ =	swait.ge @!p0 [sflag:s8], $0x0  }
0x24: {  	s3 =	sadd.s32 $0x88, s3;
	s6 =	simm.s32 @!p1 $0x1082;
	[sflag:s4] =	ssyncset.s32 $0xFFFFF086  }
0x25: {  	[simem:s6], [sflag:s4] =	dma.local [hbm:s3], $0xF7A  }
0x26: {  	[smem:$0x3F9D] =	sst s1;
	(tag) =	ssettag s2;
	_ =	strace s9  }
0x27: {  	s1 =	sld [smem:$0x3FAD]  }
0x28: {  	s2 =	sld [smem:$0x3FAE]  }
0x29: {  	s4 =	sld [smem:$0x3FB0]  }
0x2a: {  	p0 =	seq.s32 s5, $0x0;
	s5 =	sld [smem:$0x3FB1]  }
0x2b: {  	s6 =	sld [smem:$0x3FB2]  }
0x2c: {  	s7 =	sld [smem:$0x3FB3]  }
0x2d: {  	s3 =	simm.s32 $0x108;
	s8 =	sld [smem:$0x3FB4]  }
0x2e: {  	s3 =	simm.s32 @!p0 $0x1082;
	s9 =	sld [smem:$0x3FB5]  }
0x2f: {  	lr =	sadd.s32 s0, s3;
	s0 =	sld [smem:$0x3FAC]  }
0x30: {  	s3 =	sld [smem:$0x3FAF]  }
0x31: {  	[smem:$0x3FB8] =	sst s10  }
0x32: {  	s10 =	sld [smem:$0x3FB6];
	_ =	sdelay $0x3  }
0x33: {  	p0 =	seq.s32 s10, $0x1;
	s10 =	sld [smem:$0x3FB8];
	_ =	sdelay $0x3  }
0x34: {  	[smem:$0x3FB8] =	sst s10  }
0x35: {  	s10 =	sld [smem:$0x3FB7];
	_ =	sdelay $0x3  }
0x36: {  	p1 =	seq.s32 s10, $0x1;
	s10 =	sld [smem:$0x3FB8];
	_ =	sdelay $0x3  }
0x37: {  	[smem:$0x3FB8] =	sst s10  }
0x38: {  	s10 =	sld [smem:$0x3FB9]  }
0x39: {  	_ = 	snop;
	(pc) =	sbr.ind lr, $3  }
0x3a: {  	_ = 	snop  }
0x3b: {  	_ = 	snop  }
0x3c: {  	p2 =	seq.s32 s10, $0x1;
	s10 =	sld [smem:$0x3FB8]  }
0x3d: {  	_ =	shalt  }
0x3e: {  	_ =	shalt  }
0x3f: {  	_ =	shalt  }
0x40: {  	_ =	shalt  }
0x41: {  	_ =	shalt  }
0x42: {  	_ =	shalt  }
0x43: {  	_ =	shalt  }
0x44: {  	_ =	shalt  }
0x45: {  	_ =	shalt  }
0x46: {  	_ =	shalt  }
0x47: {  	_ =	shalt  }
0x48: {  	_ =	shalt  }
0x49: {  	_ =	shalt  }
0x4a: {  	_ =	shalt  }
0x4b: {  	_ =	shalt  }
0x4c: {  	_ =	shalt  }
0x4d: {  	_ =	shalt  }
0x4e: {  	_ =	shalt  }
0x4f: {  	_ =	shalt  }
0x50: {  	_ =	shalt  }
0x51: {  	_ =	shalt  }
0x52: {  	_ =	shalt  }
0x53: {  	_ =	shalt  }
0x54: {  	_ =	shalt  }
0x55: {  	_ =	shalt  }
0x56: {  	_ =	shalt  }
0x57: {  	_ =	shalt  }
0x58: {  	_ =	shalt  }
0x59: {  	_ =	shalt  }
0x5a: {  	_ =	shalt  }
0x5b: {  	_ =	shalt  }
0x5c: {  	_ =	shalt  }
0x5d: {  	_ =	shalt  }
0x5e: {  	_ =	shalt  }
0x5f: {  	_ =	shalt  }
0x60: {  	_ =	shalt  }
0x61: {  	_ =	shalt  }
0x62: {  	_ =	shalt  }
0x63: {  	_ =	shalt  }
0x64: {  	_ =	shalt  }
0x65: {  	_ =	shalt  }
0x66: {  	_ =	shalt  }
0x67: {  	_ =	shalt  }
0x68: {  	_ =	shalt  }
0x69: {  	_ =	shalt  }
0x6a: {  	_ =	shalt  }
0x6b: {  	_ =	shalt  }
0x6c: {  	_ =	shalt  }
0x6d: {  	_ =	shalt  }
0x6e: {  	_ =	shalt  }
0x6f: {  	_ =	shalt  }
0x70: {  	_ =	shalt  }
0x71: {  	_ =	shalt  }
0x72: {  	_ =	shalt  }
0x73: {  	_ =	shalt  }
0x74: {  	_ =	shalt  }
0x75: {  	_ =	shalt  }
0x76: {  	_ =	shalt  }
0x77: {  	_ =	shalt  }
0x78: {  	_ =	shalt  }
0x79: {  	_ =	shalt  }
0x7a: {  	_ =	shalt  }
0x7b: {  	_ =	shalt  }
0x7c: {  	_ =	shalt  }
0x7d: {  	_ =	shalt  }
0x7e: {  	_ =	shalt  }
0x7f: {  	_ =	shalt  }
0x80: {  	_ =	shalt  }
0x81: {  	_ =	shalt  }
0x82: {  	_ =	shalt  }
0x83: {  	_ =	shalt  }
0x84: {  	_ =	shalt  }
0x85: {  	_ =	shalt  }
0x86: {  	_ =	shalt  }
0x87: {  	_ =	shalt  }
.Lfunc_end0:
.L_simem_size_0:
called_computation_lowered:
.L_overlay_start_0:
0x88: {  	s1 =	sld [smem:$0x3FD9]  }
0x89: {  	s2 =	sld [smem:$0x3FFE];
	_ =	sdelay $0x1  }
0x8a: {  	s3 =	srdreg.scid  }
0x8b: {  	s0 =	sand.u32 $0x1, s3  }
0x8c: {  	s17 =	sshll.u32 s0, $0xA;
	s1 =	sadd.s32 s2, s1  }
0x8d: {  	s1 =	sadd.s32 s1, s17  }
0x8e: {  	[smem:$0x3FC4] =	sst s1  }
0x8f: {  	_ = 	snop  }
0x90: {  	(tm) =	ssettm $0x1  }
0x91: {  	s18 =	sld [smem:$0x3FFB];
	_ =	sdelay $0x3  }
0x92: {  	_ =	strace s18  }
0x93: {  	s1 =	sld [smem:$0x3FFC];
	_ =	sdelay $0x3  }
0x94: {  	_ =	strace s1  }
0x95: {  	s1 =	sld [smem:$0x3FFD];
	_ =	sdelay $0x3  }
0x96: {  	_ =	strace s1  }
0x97: {  	_ =	strace $0x8FFFFFFF  }
0x98: {  	s19 =	sld [smem:$0x3FDB];
	_ =	sdelay $0x1  }
0x99: {  	s20 =	simm.s32 $_scs_section_size  }
0x9a: {  	s4 =	simm.s32 $_size__tile_overlayer_lowered;
	s5 =	simm.s32 $_tile_overlayer_lowered  }
0x9b: {  	s23 =	simm.s32 $0x1BFF;
	s22 =	sshll.u32 s5, $0x1;
	s1 =	sadd.s32 s20, s19  }
0x9c: {  	s6 =	simm.s32 $0x0;
	s21 =	sshll.u32 s4, $0x1;
	s4 =	sadd.s32 s22, s1  }
0x9d: {  	[timem:s6], [sflag:s23] =	dma.local [hbm:s4], s21  }
0x9e: {  	_ =	swait.ge [sflag:s23], s21  }
0x9f: {  	s2 =	ssub.s32 $0x0, s21;
	[sflag:s23] =	ssyncset.done $0x0  }
0xa0: {  	[sflag:s23] =	ssyncadd.s32 s2;
	_ =	sdelay $0x1  }
0xa1: {  	s24 =	simm.s32 $0x1B8B  }
0xa2: {  	_ =	swait.ge [sflag:s24], $0x1  }
0xa3: {  	[sflag:s24] =	ssyncset.done $0x0  }
0xa4: {  	s25 =	simm.s32 $0x1B8E;
	[sflag:s24] =	ssyncadd.s32 $0xFFFFFFFF  }
0xa5: {  	s26 =	simm.s32 $execute0_lowered;
	[smem:$0x3FD2] =	sst s25  }
0xa6: {  	s2 =	sshll.u32 s26, $0x1;
	_ =	strace $0x80000046;
	[dreg:$0x1] =	wrdreg $0xFFFFFFFF  }
0xa7: {  	s28 =	simm.s32 $_size_execute0_lowered;
	s1 =	sadd.s32 s1, s2;
	[dreg:$0x0] =	wrdreg $0x0  }
0xa8: {  	s2 =	sshll.u32 s28, $0x1;
	[dreg:$0x2] =	wrdreg s1  }
0xa9: {  	[dreg:$0x3] =	wrdreg s2  }
0xaa: {  	[dreg:$0x4] =	wrdreg $0xC0  }
0xab: {  	_ =	task [dreg:s6], $0x5FFFF  }
0xac: {  	[dreg:$0x1] =	wrdreg $0xFFFFFFFF  }
0xad: {  	[dreg:$0x0] =	wrdreg $0x60  }
0xae: {  	[dreg:$0x2] =	wrdreg $0x9  }
0xaf: {  	_ =	task.clear_ibuf [dreg:s6], $0x3FFFF;
	_ =	strace $0x90000046  }
0xb0: {  	s29 =	simm.s32 $0x9;
	_ =	strace $0x80000048  }
0xb1: {  	_ =	swait.ge [sflag:s29], $0x1  }
0xb2: {  	[sflag:s29] =	ssyncadd.s32 $0xFFFFFFFF  }
0xb3: {  	_ =	strace $0x90000048  }
0xb4: {  	_ =	sfence  }
0xb5: {  	s30 =	sld [smem:$0x0];
	_ =	sdelay $0x2  }
0xb6: {  	s31 =	sshll.u32 s3, $0xD;
	s3 =	sshrl.u32 s3, $0x2  }
0xb7: {  	s2 =	sand.u32 $0x4000, s31;
	s1 =	sadd.s32 s3, s30  }
0xb8: {  	s0 =	sor.u32 s2, s0;
	s1 =	sshll.u32 s1, $0x11  }
0xb9: {  	s0 =	sor.u32 s1, s0  }
0xba: {  	s0 =	sadd.s32 $0x8F2B, s0  }
0xbb: {  	[sflag:s0] =	ssyncadd.remote.s32 $0x1  }
0xbc: {  	_ =	sfence.sel $0xFFFF  }
0xbd: {  	[dreg:$0x0] =	wrdreg $0xFFFFFFFF;
	(pc) =	sbr.abs _section_cstart, $3  }
0xbe: {  	[dreg:$0x1] =	wrdreg $0xFFFFFFFF  }
0xbf: {  	_ =	task.clear_ibuf [dreg:s6], $0x2FFFF;
	_ =	strace $0x9FFFFFFF  }
0xc0: {  	(tm) =	ssettm $0x7FFFFFFF  }
0xc1: {  	_ =	shalt  }
tec
execute0_lowered:
.L_overlay_start_1:
0x0: {  	(tag) =	ssettag $0x1  }
0x1: {  	s0 =	rddreg [dreg:$0x0];
	_ =	strace $0x80000047  }
0x2: {  	_ =	sfence.sel $0x180000  }
0x3: {  	s1 =	stileid.u32;
	[bflag:$0x0] =	sbarrier.arrive $0xFFFF  }
0x4: {  	p0 =	sne.s32 s1, $0x0;
	_ =	strace $0x90000047  }
0x5: {  	s0 =	sadd.s32 @!p0 $0x100000, s0;
	[bflag:$0x2] =	sbarrier.arrive $0xFFFF  }
0x6: {  	[sflag:s0] =	ssyncadd.tile.s32 @!p0 $0x1;
	_ =	shalt  }
.Lfunc_end2:
_tile_overlayer_lowered:
.L_overlay_start_2:
0x7: {  	(tag) =	ssettag $0x2  }
0x8: {  	s0 =	rddreg [dreg:$0x0];
	s2 =	stileid.u32  }
0x9: {  	s1 =	rddreg [dreg:$0x1];
	p0 =	sne.s32 s2, $0x0  }
0xa: {  	s3 =	rddreg [dreg:$0x2];
	[bflag:$0x3] =	sbarrier.arrive $0xFFFF;
	s2 =	simm.s32 @!p0 $0x1C01  }
0xb: {  	[timem:s3], [sflag:s2] =	dma.local @!p0 [hbm:s0], s1  }
0xc: {  	s0 =	simm.s32 @!p0 $0x1  }
0xd: {  	_ =	swait.ge @!p0 [sflag:s0], s1  }
0xe: {  	s1 =	ssub.s32 @!p0 $0x0, s1;
	[sflag:s0] =	ssyncset.done @!p0 $0x0  }
0xf: {  	[sflag:s0] =	ssyncadd.s32 @!p0 s1  }
0x10: {  	[bflag:$0x3] =	sbarrier.arrive $0xFFFF  }
0x11: {  	_ =	shalt  }

</sc_bundles>
